<compile_context>
chip_gen: v7x
topology: tpu7x:2x2x1
jax: 0.10.2.dev20260603
libtpu: 0.0.44.dev20260713+nightly
codegen_flags: <defaults>
</compile_context>

<pallas_src>
import jax
import jax.numpy as jnp
from jax import lax
from jax.experimental import pallas as pl
from jax.experimental.pallas import tpu as pltpu
from jax.experimental.pallas import tpu_sc as plsc

NUM_EMB = 1000000
DIM = 32
BATCH = 16384
SEQ = 200
B = BATCH * SEQ

NC = 2
NS = 16
NW = NC * NS
BATCH_PER_W = BATCH // NW
CB = 4
CHUNK = CB * SEQ
NBUF = 4
N_CHUNKS = BATCH_PER_W // CB

assert BATCH % NW == 0 and BATCH_PER_W % CB == 0 and N_CHUNKS % NBUF == 0


def _emb_body(idx_hbm, table_hbm, out_hbm, *scratch):
    idx_v = scratch[:NBUF]
    rows_v = scratch[NBUF:2 * NBUF]
    isem = scratch[2 * NBUF:3 * NBUF]
    gsem = scratch[3 * NBUF:4 * NBUF]
    osem = scratch[4 * NBUF:5 * NBUF]

    wid = lax.axis_index("s") * NC + lax.axis_index("c")
    base_b = wid * BATCH_PER_W

    def ichunk(g):
        return idx_hbm.at[pl.ds((base_b + g * CB) * SEQ, CHUNK)]

    def owrite(g, b):
        pltpu.async_copy(
            rows_v[b],
            out_hbm.at[pl.ds((base_b + g * CB) * SEQ, CHUNK), pl.ds(0, DIM)],
            osem[b])

    def owait(g, b):
        pltpu.make_async_copy(
            rows_v[b],
            out_hbm.at[pl.ds((base_b + g * CB) * SEQ, CHUNK), pl.ds(0, DIM)],
            osem[b]).wait()

    for h in range(NBUF):
        pltpu.async_copy(ichunk(h), idx_v[h], isem[h])
    for h in range(NBUF - 1):
        pltpu.make_async_copy(ichunk(h), idx_v[h], isem[h]).wait()
        pltpu.async_copy(table_hbm.at[idx_v[h]], rows_v[h], gsem[h])

    @pl.loop(0, N_CHUNKS, step=NBUF)
    def _(g0):
        for b in range(NBUF):
            g = g0 + b
            pb = (b + NBUF - 1) % NBUF
            pltpu.make_async_copy(
                table_hbm.at[idx_v[b]], rows_v[b], gsem[b]).wait()

            @pl.when(g + NBUF < N_CHUNKS)
            def _():
                pltpu.async_copy(ichunk(g + NBUF), idx_v[b], isem[b])

            @pl.when(g + NBUF - 1 < N_CHUNKS)
            def _():
                pltpu.make_async_copy(
                    ichunk(g + NBUF - 1), idx_v[pb], isem[pb]).wait()

                @pl.when(g >= 1)
                def _():
                    owait(g - 1, pb)

                pltpu.async_copy(
                    table_hbm.at[idx_v[pb]], rows_v[pb], gsem[pb])

            owrite(g, b)

    for h in range(NBUF):
        g = N_CHUNKS - NBUF + h
        owait(g, g % NBUF)


@jax.jit
def _emb_lookup(idx_flat, weight):
    mesh = plsc.VectorSubcoreMesh(core_axis_name="c", subcore_axis_name="s")
    return pl.kernel(
        _emb_body,
        out_type=jax.ShapeDtypeStruct((B, 128), jnp.float32),
        mesh=mesh,
        scratch_types=(
            [pltpu.VMEM((CHUNK,), jnp.int32) for _ in range(NBUF)]
            + [pltpu.VMEM((CHUNK, DIM), jnp.float32) for _ in range(NBUF)]
            + [pltpu.SemaphoreType.DMA for _ in range(3 * NBUF)]
        ),
        compiler_params=pltpu.CompilerParams(use_tc_tiling_on_sc=False),
    )(idx_flat, weight)


def kernel(token_ids, weight):
    idx_flat = token_ids.reshape(-1).astype(jnp.int32)
    padded = _emb_lookup(idx_flat, weight)
    return padded[:, :DIM].reshape(BATCH, SEQ, DIM)

# --- scband reference (transcript-rebuilt; emitter-appended) ---
"""Pipeline reference for scband-embedding-91311004712987 (READ-ONLY COPY).

The authoritative reference and input builder live on the scoring server;
editing this copy changes nothing except your own understanding.
"""

import jax, jax.numpy as jnp
import numpy as np

NUM_EMBEDDINGS = 1000000
EMBEDDING_DIM = 32

def setup_inputs(seed: int = 0) -> dict:
    key = jax.random.key(seed)
    k_idx, k_w = jax.random.split(key)
    token_ids = jax.random.randint(k_idx, (16384, 200), 0, NUM_EMBEDDINGS, dtype=jnp.int64 if jax.config.jax_enable_x64 else jnp.int32)
    # trunc_normal_(mean=0, std=1, a=-3, b=3)
    weight = jax.random.truncated_normal(k_w, -3.0, 3.0, (NUM_EMBEDDINGS, EMBEDDING_DIM), dtype=jnp.float32)
    return {"token_ids": token_ids, "weight": weight}

def reference(token_ids, weight):
    idx = token_ids.astype(jnp.int32)
    return jnp.take(weight, idx, axis=0)

if __name__ == "__main__":
    import jax
    _d = setup_inputs()
    print(jax.jit(kernel)(*tuple(_d.values())))

</pallas_src>

<mosaic_0001>
#map = affine_map<(d0, d1) -> (0)>
#map1 = affine_map<(d0, d1) -> (0, 0)>
module attributes {stable_mosaic.version = 14 : i64} {
  func.func @_emb_body(%arg0: i32, %arg1: i32, %arg2: memref<3276800xi32, #tpu.memory_space<hbm>>, %arg3: memref<1000000x32xf32, #tpu.memory_space<hbm>>, %arg4: memref<3276800x128xf32, #tpu.memory_space<hbm>>, %arg5: memref<800xi32, #tpu.memory_space<vmem>>, %arg6: memref<800xi32, #tpu.memory_space<vmem>>, %arg7: memref<800xi32, #tpu.memory_space<vmem>>, %arg8: memref<800xi32, #tpu.memory_space<vmem>>, %arg9: memref<800x32xf32, #tpu.memory_space<vmem>>, %arg10: memref<800x32xf32, #tpu.memory_space<vmem>>, %arg11: memref<800x32xf32, #tpu.memory_space<vmem>>, %arg12: memref<800x32xf32, #tpu.memory_space<vmem>>, %arg13: memref<!tpu.dma_semaphore, #tpu.memory_space<semaphore_mem>>, %arg14: memref<!tpu.dma_semaphore, #tpu.memory_space<semaphore_mem>>, %arg15: memref<!tpu.dma_semaphore, #tpu.memory_space<semaphore_mem>>, %arg16: memref<!tpu.dma_semaphore, #tpu.memory_space<semaphore_mem>>, %arg17: memref<!tpu.dma_semaphore, #tpu.memory_space<semaphore_mem>>, %arg18: memref<!tpu.dma_semaphore, #tpu.memory_space<semaphore_mem>>, %arg19: memref<!tpu.dma_semaphore, #tpu.memory_space<semaphore_mem>>, %arg20: memref<!tpu.dma_semaphore, #tpu.memory_space<semaphore_mem>>, %arg21: memref<!tpu.dma_semaphore, #tpu.memory_space<semaphore_mem>>, %arg22: memref<!tpu.dma_semaphore, #tpu.memory_space<semaphore_mem>>, %arg23: memref<!tpu.dma_semaphore, #tpu.memory_space<semaphore_mem>>, %arg24: memref<!tpu.dma_semaphore, #tpu.memory_space<semaphore_mem>>) attributes {dimension_semantics = [#tpu.dimension_semantics<core_parallel>, #tpu.dimension_semantics<subcore_parallel>], iteration_bounds = array<i64: 2, 16>, scalar_prefetch = 0 : i64, scratch_operands = 20 : i64, tpu.core_type = #tpu.core_type<sc_vector_subcore>, window_params = [{transform_indices = #map}, {transform_indices = #map1}, {transform_indices = #map1}]} {
    %mul3A = arith.constant 2 : i32
    %mul3A_0 = arith.muli %arg1, %mul3A : i32
    %add3A = arith.addi %mul3A_0, %arg0 : i32
    %mul3A_1 = arith.constant 512 : i32
    %mul3A_2 = arith.muli %add3A, %mul3A_1 : i32
    %add3A_3 = arith.constant 0 : i32
    %add3A_4 = arith.addi %mul3A_2, %add3A_3 : i32
    %mul3A_5 = arith.constant 200 : i32
    %mul3A_6 = arith.muli %add3A_4, %mul3A_5 : i32
    %dma_start3A = tpu.memref_slice %arg2[%mul3A_6] : memref<3276800xi32, #tpu.memory_space<hbm>> -> memref<800xi32, #tpu.memory_space<hbm>>
    %dma_start3A_7 = tpu.memref_slice %arg2[%mul3A_6] : memref<3276800xi32, #tpu.memory_space<hbm>> -> memref<800xi32, #tpu.memory_space<hbm>>
    tpu.enqueue_dma source(%dma_start3A_7 : memref<800xi32, #tpu.memory_space<hbm>>) target(%arg5 : memref<800xi32, #tpu.memory_space<vmem>>) target_semaphore(%arg13 : memref<!tpu.dma_semaphore, #tpu.memory_space<semaphore_mem>>)
    %add3A_8 = arith.constant 4 : i32
    %add3A_9 = arith.addi %mul3A_2, %add3A_8 : i32
    %mul3A_10 = arith.constant 200 : i32
    %mul3A_11 = arith.muli %add3A_9, %mul3A_10 : i32
    %dma_start3A_12 = tpu.memref_slice %arg2[%mul3A_11] : memref<3276800xi32, #tpu.memory_space<hbm>> -> memref<800xi32, #tpu.memory_space<hbm>>
    %dma_start3A_13 = tpu.memref_slice %arg2[%mul3A_11] : memref<3276800xi32, #tpu.memory_space<hbm>> -> memref<800xi32, #tpu.memory_space<hbm>>
    tpu.enqueue_dma source(%dma_start3A_13 : memref<800xi32, #tpu.memory_space<hbm>>) target(%arg6 : memref<800xi32, #tpu.memory_space<vmem>>) target_semaphore(%arg14 : memref<!tpu.dma_semaphore, #tpu.memory_space<semaphore_mem>>)
    %add3A_14 = arith.constant 8 : i32
    %add3A_15 = arith.addi %mul3A_2, %add3A_14 : i32
    %mul3A_16 = arith.constant 200 : i32
    %mul3A_17 = arith.muli %add3A_15, %mul3A_16 : i32
    %dma_start3A_18 = tpu.memref_slice %arg2[%mul3A_17] : memref<3276800xi32, #tpu.memory_space<hbm>> -> memref<800xi32, #tpu.memory_space<hbm>>
    %dma_start3A_19 = tpu.memref_slice %arg2[%mul3A_17] : memref<3276800xi32, #tpu.memory_space<hbm>> -> memref<800xi32, #tpu.memory_space<hbm>>
    tpu.enqueue_dma source(%dma_start3A_19 : memref<800xi32, #tpu.memory_space<hbm>>) target(%arg7 : memref<800xi32, #tpu.memory_space<vmem>>) target_semaphore(%arg15 : memref<!tpu.dma_semaphore, #tpu.memory_space<semaphore_mem>>)
    %add3A_20 = arith.constant 12 : i32
    %add3A_21 = arith.addi %mul3A_2, %add3A_20 : i32
    %mul3A_22 = arith.constant 200 : i32
    %mul3A_23 = arith.muli %add3A_21, %mul3A_22 : i32
    %dma_start3A_24 = tpu.memref_slice %arg2[%mul3A_23] : memref<3276800xi32, #tpu.memory_space<hbm>> -> memref<800xi32, #tpu.memory_space<hbm>>
    %dma_start3A_25 = tpu.memref_slice %arg2[%mul3A_23] : memref<3276800xi32, #tpu.memory_space<hbm>> -> memref<800xi32, #tpu.memory_space<hbm>>
    tpu.enqueue_dma source(%dma_start3A_25 : memref<800xi32, #tpu.memory_space<hbm>>) target(%arg8 : memref<800xi32, #tpu.memory_space<vmem>>) target_semaphore(%arg16 : memref<!tpu.dma_semaphore, #tpu.memory_space<semaphore_mem>>)
    %add3A_26 = arith.constant 0 : i32
    %add3A_27 = arith.addi %mul3A_2, %add3A_26 : i32
    %mul3A_28 = arith.constant 200 : i32
    %mul3A_29 = arith.muli %add3A_27, %mul3A_28 : i32
    %dma_wait3A = tpu.memref_slice %arg2[%mul3A_29] : memref<3276800xi32, #tpu.memory_space<hbm>> -> memref<800xi32, #tpu.memory_space<hbm>>
    %dma_wait3A_30 = tpu.memref_slice %arg2[%mul3A_29] : memref<3276800xi32, #tpu.memory_space<hbm>> -> memref<800xi32, #tpu.memory_space<hbm>>
    tpu.wait_dma2 semaphore(%arg13 : memref<!tpu.dma_semaphore, #tpu.memory_space<semaphore_mem>>) src(%dma_wait3A_30 : memref<800xi32, #tpu.memory_space<hbm>>) dst(%arg5 : memref<800xi32, #tpu.memory_space<vmem>>)
    %dma_start3A_31 = arith.constant 0 : i32
    %dma_start3A_32 = arith.constant 0 : i32
    %dma_start3A_33 = tpu.memref_slice %arg3[%dma_start3A_31, %dma_start3A_32] : memref<1000000x32xf32, #tpu.memory_space<hbm>> -> memref<1000000x32xf32, #tpu.memory_space<hbm>>
    tpu.enqueue_indirect_dma source(%dma_start3A_33 : memref<1000000x32xf32, #tpu.memory_space<hbm>>) target(%arg9 : memref<800x32xf32, #tpu.memory_space<vmem>>) offsets(%arg5 : memref<800xi32, #tpu.memory_space<vmem>>) semaphore(%arg17 : memref<!tpu.dma_semaphore, #tpu.memory_space<semaphore_mem>>)
    %add3A_34 = arith.constant 4 : i32
    %add3A_35 = arith.addi %mul3A_2, %add3A_34 : i32
    %mul3A_36 = arith.constant 200 : i32
    %mul3A_37 = arith.muli %add3A_35, %mul3A_36 : i32
    %dma_wait3A_38 = tpu.memref_slice %arg2[%mul3A_37] : memref<3276800xi32, #tpu.memory_space<hbm>> -> memref<800xi32, #tpu.memory_space<hbm>>
    %dma_wait3A_39 = tpu.memref_slice %arg2[%mul3A_37] : memref<3276800xi32, #tpu.memory_space<hbm>> -> memref<800xi32, #tpu.memory_space<hbm>>
    tpu.wait_dma2 semaphore(%arg14 : memref<!tpu.dma_semaphore, #tpu.memory_space<semaphore_mem>>) src(%dma_wait3A_39 : memref<800xi32, #tpu.memory_space<hbm>>) dst(%arg6 : memref<800xi32, #tpu.memory_space<vmem>>)
    %dma_start3A_40 = arith.constant 0 : i32
    %dma_start3A_41 = arith.constant 0 : i32
    %dma_start3A_42 = tpu.memref_slice %arg3[%dma_start3A_40, %dma_start3A_41] : memref<1000000x32xf32, #tpu.memory_space<hbm>> -> memref<1000000x32xf32, #tpu.memory_space<hbm>>
    tpu.enqueue_indirect_dma source(%dma_start3A_42 : memref<1000000x32xf32, #tpu.memory_space<hbm>>) target(%arg10 : memref<800x32xf32, #tpu.memory_space<vmem>>) offsets(%arg6 : memref<800xi32, #tpu.memory_space<vmem>>) semaphore(%arg18 : memref<!tpu.dma_semaphore, #tpu.memory_space<semaphore_mem>>)
    %add3A_43 = arith.constant 8 : i32
    %add3A_44 = arith.addi %mul3A_2, %add3A_43 : i32
    %mul3A_45 = arith.constant 200 : i32
    %mul3A_46 = arith.muli %add3A_44, %mul3A_45 : i32
    %dma_wait3A_47 = tpu.memref_slice %arg2[%mul3A_46] : memref<3276800xi32, #tpu.memory_space<hbm>> -> memref<800xi32, #tpu.memory_space<hbm>>
    %dma_wait3A_48 = tpu.memref_slice %arg2[%mul3A_46] : memref<3276800xi32, #tpu.memory_space<hbm>> -> memref<800xi32, #tpu.memory_space<hbm>>
    tpu.wait_dma2 semaphore(%arg15 : memref<!tpu.dma_semaphore, #tpu.memory_space<semaphore_mem>>) src(%dma_wait3A_48 : memref<800xi32, #tpu.memory_space<hbm>>) dst(%arg7 : memref<800xi32, #tpu.memory_space<vmem>>)
    %dma_start3A_49 = arith.constant 0 : i32
    %dma_start3A_50 = arith.constant 0 : i32
    %dma_start3A_51 = tpu.memref_slice %arg3[%dma_start3A_49, %dma_start3A_50] : memref<1000000x32xf32, #tpu.memory_space<hbm>> -> memref<1000000x32xf32, #tpu.memory_space<hbm>>
    tpu.enqueue_indirect_dma source(%dma_start3A_51 : memref<1000000x32xf32, #tpu.memory_space<hbm>>) target(%arg11 : memref<800x32xf32, #tpu.memory_space<vmem>>) offsets(%arg7 : memref<800xi32, #tpu.memory_space<vmem>>) semaphore(%arg19 : memref<!tpu.dma_semaphore, #tpu.memory_space<semaphore_mem>>)
    %scan3A = arith.constant 0 : i32
    %scan3A_52 = arith.constant 32 : i32
    %scan3A_53 = arith.addi %scan3A, %scan3A_52 : i32
    %scan3A_54 = arith.constant 1 : i32
    scf.for %scan3A_88 = %scan3A to %scan3A_53 step %scan3A_54  : i32 {
      %mul3A_89 = arith.constant 4 : i32
      %mul3A_90 = arith.muli %scan3A_88, %mul3A_89 : i32
      %add3A_91 = arith.constant 0 : i32
      %add3A_92 = arith.addi %add3A_91, %mul3A_90 : i32
      %add3A_93 = arith.constant 0 : i32
      %add3A_94 = arith.addi %add3A_92, %add3A_93 : i32
      %dma_wait3A_95 = arith.constant 0 : i32
      %dma_wait3A_96 = arith.constant 0 : i32
      %dma_wait3A_97 = tpu.memref_slice %arg3[%dma_wait3A_95, %dma_wait3A_96] : memref<1000000x32xf32, #tpu.memory_space<hbm>> -> memref<1000000x32xf32, #tpu.memory_space<hbm>>
      tpu.wait_indirect_dma semaphore(%arg17 : memref<!tpu.dma_semaphore, #tpu.memory_space<semaphore_mem>>) src(%dma_wait3A_97 : memref<1000000x32xf32, #tpu.memory_space<hbm>>) dst(%arg9 : memref<800x32xf32, #tpu.memory_space<vmem>>)
      %add3A_98 = arith.constant 4 : i32
      %add3A_99 = arith.addi %add3A_94, %add3A_98 : i32
      %lt3A = arith.constant 128 : i32
      %lt3A_100 = arith.cmpi slt, %add3A_99, %lt3A : i32
      %convert_element_type3A = arith.extui %lt3A_100 : i1 to i32
      %cond3A = arith.constant 0 : i32
      %cond3A_101 = arith.cmpi ne, %convert_element_type3A, %cond3A : i32
      scf.if %cond3A_101 {
        %add3A_209 = arith.constant 4 : i32
        %add3A_210 = arith.addi %add3A_94, %add3A_209 : i32
        %mul3A_211 = arith.constant 4 : i32
        %mul3A_212 = arith.muli %add3A_210, %mul3A_211 : i32
        %add3A_213 = arith.addi %mul3A_2, %mul3A_212 : i32
        %mul3A_214 = arith.constant 200 : i32
        %mul3A_215 = arith.muli %add3A_213, %mul3A_214 : i32
        %dma_start3A_216 = tpu.memref_slice %arg2[%mul3A_215] : memref<3276800xi32, #tpu.memory_space<hbm>> -> memref<800xi32, #tpu.memory_space<hbm>>
        %dma_start3A_217 = tpu.memref_slice %arg2[%mul3A_215] : memref<3276800xi32, #tpu.memory_space<hbm>> -> memref<800xi32, #tpu.memory_space<hbm>>
        tpu.enqueue_dma source(%dma_start3A_217 : memref<800xi32, #tpu.memory_space<hbm>>) target(%arg5 : memref<800xi32, #tpu.memory_space<vmem>>) target_semaphore(%arg13 : memref<!tpu.dma_semaphore, #tpu.memory_space<semaphore_mem>>)
      } else {
      }
      %add3A_102 = arith.constant 4 : i32
      %add3A_103 = arith.addi %add3A_94, %add3A_102 : i32
      %sub3A = arith.constant 1 : i32
      %sub3A_104 = arith.subi %add3A_103, %sub3A : i32
      %lt3A_105 = arith.constant 128 : i32
      %lt3A_106 = arith.cmpi slt, %sub3A_104, %lt3A_105 : i32
      %convert_element_type3A_107 = arith.extui %lt3A_106 : i1 to i32
      %cond3A_108 = arith.constant 0 : i32
      %cond3A_109 = arith.cmpi ne, %convert_element_type3A_107, %cond3A_108 : i32
      scf.if %cond3A_109 {
        %add3A_209 = arith.constant 4 : i32
        %add3A_210 = arith.addi %add3A_94, %add3A_209 : i32
        %sub3A_211 = arith.constant 1 : i32
        %sub3A_212 = arith.subi %add3A_210, %sub3A_211 : i32
        %mul3A_213 = arith.constant 4 : i32
        %mul3A_214 = arith.muli %sub3A_212, %mul3A_213 : i32
        %add3A_215 = arith.addi %mul3A_2, %mul3A_214 : i32
        %mul3A_216 = arith.constant 200 : i32
        %mul3A_217 = arith.muli %add3A_215, %mul3A_216 : i32
        %dma_wait3A_218 = tpu.memref_slice %arg2[%mul3A_217] : memref<3276800xi32, #tpu.memory_space<hbm>> -> memref<800xi32, #tpu.memory_space<hbm>>
        %dma_wait3A_219 = tpu.memref_slice %arg2[%mul3A_217] : memref<3276800xi32, #tpu.memory_space<hbm>> -> memref<800xi32, #tpu.memory_space<hbm>>
        tpu.wait_dma2 semaphore(%arg16 : memref<!tpu.dma_semaphore, #tpu.memory_space<semaphore_mem>>) src(%dma_wait3A_219 : memref<800xi32, #tpu.memory_space<hbm>>) dst(%arg8 : memref<800xi32, #tpu.memory_space<vmem>>)
        %ge3A = arith.constant 1 : i32
        %ge3A_220 = arith.cmpi sge, %add3A_94, %ge3A : i32
        %convert_element_type3A_221 = arith.extui %ge3A_220 : i1 to i32
        %cond3A_222 = arith.constant 0 : i32
        %cond3A_223 = arith.cmpi ne, %convert_element_type3A_221, %cond3A_222 : i32
        scf.if %cond3A_223 {
          %sub3A_227 = arith.constant 1 : i32
          %sub3A_228 = arith.subi %add3A_94, %sub3A_227 : i32
          %mul3A_229 = arith.constant 4 : i32
          %mul3A_230 = arith.muli %sub3A_228, %mul3A_229 : i32
          %add3A_231 = arith.addi %mul3A_2, %mul3A_230 : i32
          %mul3A_232 = arith.constant 200 : i32
          %mul3A_233 = arith.muli %add3A_231, %mul3A_232 : i32
          %dma_wait3A_234 = arith.constant 0 : i32
          %dma_wait3A_235 = tpu.memref_slice %arg4[%mul3A_233, %dma_wait3A_234] : memref<3276800x128xf32, #tpu.memory_space<hbm>> -> memref<800x32xf32, #tpu.memory_space<hbm>>
          %dma_wait3A_236 = arith.constant 0 : i32
          %dma_wait3A_237 = tpu.memref_slice %arg4[%mul3A_233, %dma_wait3A_236] : memref<3276800x128xf32, #tpu.memory_space<hbm>> -> memref<800x32xf32, #tpu.memory_space<hbm>>
          tpu.wait_dma2 semaphore(%arg24 : memref<!tpu.dma_semaphore, #tpu.memory_space<semaphore_mem>>) src(%arg12 : memref<800x32xf32, #tpu.memory_space<vmem>>) dst(%dma_wait3A_237 : memref<800x32xf32, #tpu.memory_space<hbm>>)
        } else {
        }
        %dma_start3A_224 = arith.constant 0 : i32
        %dma_start3A_225 = arith.constant 0 : i32
        %dma_start3A_226 = tpu.memref_slice %arg3[%dma_start3A_224, %dma_start3A_225] : memref<1000000x32xf32, #tpu.memory_space<hbm>> -> memref<1000000x32xf32, #tpu.memory_space<hbm>>
        tpu.enqueue_indirect_dma source(%dma_start3A_226 : memref<1000000x32xf32, #tpu.memory_space<hbm>>) target(%arg12 : memref<800x32xf32, #tpu.memory_space<vmem>>) offsets(%arg8 : memref<800xi32, #tpu.memory_space<vmem>>) semaphore(%arg20 : memref<!tpu.dma_semaphore, #tpu.memory_space<semaphore_mem>>)
      } else {
      }
      %mul3A_110 = arith.constant 4 : i32
      %mul3A_111 = arith.muli %add3A_94, %mul3A_110 : i32
      %add3A_112 = arith.addi %mul3A_2, %mul3A_111 : i32
      %mul3A_113 = arith.constant 200 : i32
      %mul3A_114 = arith.muli %add3A_112, %mul3A_113 : i32
      %dma_start3A_115 = arith.constant 0 : i32
      %dma_start3A_116 = tpu.memref_slice %arg4[%mul3A_114, %dma_start3A_115] : memref<3276800x128xf32, #tpu.memory_space<hbm>> -> memref<800x32xf32, #tpu.memory_space<hbm>>
      %dma_start3A_117 = arith.constant 0 : i32
      %dma_start3A_118 = tpu.memref_slice %arg4[%mul3A_114, %dma_start3A_117] : memref<3276800x128xf32, #tpu.memory_space<hbm>> -> memref<800x32xf32, #tpu.memory_space<hbm>>
      tpu.enqueue_dma source(%arg9 : memref<800x32xf32, #tpu.memory_space<vmem>>) target(%dma_start3A_118 : memref<800x32xf32, #tpu.memory_space<hbm>>) target_semaphore(%arg21 : memref<!tpu.dma_semaphore, #tpu.memory_space<semaphore_mem>>)
      %add3A_119 = arith.constant 1 : i32
      %add3A_120 = arith.addi %add3A_92, %add3A_119 : i32
      %dma_wait3A_121 = arith.constant 0 : i32
      %dma_wait3A_122 = arith.constant 0 : i32
      %dma_wait3A_123 = tpu.memref_slice %arg3[%dma_wait3A_121, %dma_wait3A_122] : memref<1000000x32xf32, #tpu.memory_space<hbm>> -> memref<1000000x32xf32, #tpu.memory_space<hbm>>
      tpu.wait_indirect_dma semaphore(%arg18 : memref<!tpu.dma_semaphore, #tpu.memory_space<semaphore_mem>>) src(%dma_wait3A_123 : memref<1000000x32xf32, #tpu.memory_space<hbm>>) dst(%arg10 : memref<800x32xf32, #tpu.memory_space<vmem>>)
      %add3A_124 = arith.constant 4 : i32
      %add3A_125 = arith.addi %add3A_120, %add3A_124 : i32
      %lt3A_126 = arith.constant 128 : i32
      %lt3A_127 = arith.cmpi slt, %add3A_125, %lt3A_126 : i32
      %convert_element_type3A_128 = arith.extui %lt3A_127 : i1 to i32
      %cond3A_129 = arith.constant 0 : i32
      %cond3A_130 = arith.cmpi ne, %convert_element_type3A_128, %cond3A_129 : i32
      scf.if %cond3A_130 {
        %add3A_209 = arith.constant 4 : i32
        %add3A_210 = arith.addi %add3A_120, %add3A_209 : i32
        %mul3A_211 = arith.constant 4 : i32
        %mul3A_212 = arith.muli %add3A_210, %mul3A_211 : i32
        %add3A_213 = arith.addi %mul3A_2, %mul3A_212 : i32
        %mul3A_214 = arith.constant 200 : i32
        %mul3A_215 = arith.muli %add3A_213, %mul3A_214 : i32
        %dma_start3A_216 = tpu.memref_slice %arg2[%mul3A_215] : memref<3276800xi32, #tpu.memory_space<hbm>> -> memref<800xi32, #tpu.memory_space<hbm>>
        %dma_start3A_217 = tpu.memref_slice %arg2[%mul3A_215] : memref<3276800xi32, #tpu.memory_space<hbm>> -> memref<800xi32, #tpu.memory_space<hbm>>
        tpu.enqueue_dma source(%dma_start3A_217 : memref<800xi32, #tpu.memory_space<hbm>>) target(%arg6 : memref<800xi32, #tpu.memory_space<vmem>>) target_semaphore(%arg14 : memref<!tpu.dma_semaphore, #tpu.memory_space<semaphore_mem>>)
      } else {
      }
      %add3A_131 = arith.constant 4 : i32
      %add3A_132 = arith.addi %add3A_120, %add3A_131 : i32
      %sub3A_133 = arith.constant 1 : i32
      %sub3A_134 = arith.subi %add3A_132, %sub3A_133 : i32
      %lt3A_135 = arith.constant 128 : i32
      %lt3A_136 = arith.cmpi slt, %sub3A_134, %lt3A_135 : i32
      %convert_element_type3A_137 = arith.extui %lt3A_136 : i1 to i32
      %cond3A_138 = arith.constant 0 : i32
      %cond3A_139 = arith.cmpi ne, %convert_element_type3A_137, %cond3A_138 : i32
      scf.if %cond3A_139 {
        %add3A_209 = arith.constant 4 : i32
        %add3A_210 = arith.addi %add3A_120, %add3A_209 : i32
        %sub3A_211 = arith.constant 1 : i32
        %sub3A_212 = arith.subi %add3A_210, %sub3A_211 : i32
        %mul3A_213 = arith.constant 4 : i32
        %mul3A_214 = arith.muli %sub3A_212, %mul3A_213 : i32
        %add3A_215 = arith.addi %mul3A_2, %mul3A_214 : i32
        %mul3A_216 = arith.constant 200 : i32
        %mul3A_217 = arith.muli %add3A_215, %mul3A_216 : i32
        %dma_wait3A_218 = tpu.memref_slice %arg2[%mul3A_217] : memref<3276800xi32, #tpu.memory_space<hbm>> -> memref<800xi32, #tpu.memory_space<hbm>>
        %dma_wait3A_219 = tpu.memref_slice %arg2[%mul3A_217] : memref<3276800xi32, #tpu.memory_space<hbm>> -> memref<800xi32, #tpu.memory_space<hbm>>
        tpu.wait_dma2 semaphore(%arg13 : memref<!tpu.dma_semaphore, #tpu.memory_space<semaphore_mem>>) src(%dma_wait3A_219 : memref<800xi32, #tpu.memory_space<hbm>>) dst(%arg5 : memref<800xi32, #tpu.memory_space<vmem>>)
        %ge3A = arith.constant 1 : i32
        %ge3A_220 = arith.cmpi sge, %add3A_120, %ge3A : i32
        %convert_element_type3A_221 = arith.extui %ge3A_220 : i1 to i32
        %cond3A_222 = arith.constant 0 : i32
        %cond3A_223 = arith.cmpi ne, %convert_element_type3A_221, %cond3A_222 : i32
        scf.if %cond3A_223 {
          %sub3A_227 = arith.constant 1 : i32
          %sub3A_228 = arith.subi %add3A_120, %sub3A_227 : i32
          %mul3A_229 = arith.constant 4 : i32
          %mul3A_230 = arith.muli %sub3A_228, %mul3A_229 : i32
          %add3A_231 = arith.addi %mul3A_2, %mul3A_230 : i32
          %mul3A_232 = arith.constant 200 : i32
          %mul3A_233 = arith.muli %add3A_231, %mul3A_232 : i32
          %dma_wait3A_234 = arith.constant 0 : i32
          %dma_wait3A_235 = tpu.memref_slice %arg4[%mul3A_233, %dma_wait3A_234] : memref<3276800x128xf32, #tpu.memory_space<hbm>> -> memref<800x32xf32, #tpu.memory_space<hbm>>
          %dma_wait3A_236 = arith.constant 0 : i32
          %dma_wait3A_237 = tpu.memref_slice %arg4[%mul3A_233, %dma_wait3A_236] : memref<3276800x128xf32, #tpu.memory_space<hbm>> -> memref<800x32xf32, #tpu.memory_space<hbm>>
          tpu.wait_dma2 semaphore(%arg21 : memref<!tpu.dma_semaphore, #tpu.memory_space<semaphore_mem>>) src(%arg9 : memref<800x32xf32, #tpu.memory_space<vmem>>) dst(%dma_wait3A_237 : memref<800x32xf32, #tpu.memory_space<hbm>>)
        } else {
        }
        %dma_start3A_224 = arith.constant 0 : i32
        %dma_start3A_225 = arith.constant 0 : i32
        %dma_start3A_226 = tpu.memref_slice %arg3[%dma_start3A_224, %dma_start3A_225] : memref<1000000x32xf32, #tpu.memory_space<hbm>> -> memref<1000000x32xf32, #tpu.memory_space<hbm>>
        tpu.enqueue_indirect_dma source(%dma_start3A_226 : memref<1000000x32xf32, #tpu.memory_space<hbm>>) target(%arg9 : memref<800x32xf32, #tpu.memory_space<vmem>>) offsets(%arg5 : memref<800xi32, #tpu.memory_space<vmem>>) semaphore(%arg17 : memref<!tpu.dma_semaphore, #tpu.memory_space<semaphore_mem>>)
      } else {
      }
      %mul3A_140 = arith.constant 4 : i32
      %mul3A_141 = arith.muli %add3A_120, %mul3A_140 : i32
      %add3A_142 = arith.addi %mul3A_2, %mul3A_141 : i32
      %mul3A_143 = arith.constant 200 : i32
      %mul3A_144 = arith.muli %add3A_142, %mul3A_143 : i32
      %dma_start3A_145 = arith.constant 0 : i32
      %dma_start3A_146 = tpu.memref_slice %arg4[%mul3A_144, %dma_start3A_145] : memref<3276800x128xf32, #tpu.memory_space<hbm>> -> memref<800x32xf32, #tpu.memory_space<hbm>>
      %dma_start3A_147 = arith.constant 0 : i32
      %dma_start3A_148 = tpu.memref_slice %arg4[%mul3A_144, %dma_start3A_147] : memref<3276800x128xf32, #tpu.memory_space<hbm>> -> memref<800x32xf32, #tpu.memory_space<hbm>>
      tpu.enqueue_dma source(%arg10 : memref<800x32xf32, #tpu.memory_space<vmem>>) target(%dma_start3A_148 : memref<800x32xf32, #tpu.memory_space<hbm>>) target_semaphore(%arg22 : memref<!tpu.dma_semaphore, #tpu.memory_space<semaphore_mem>>)
      %add3A_149 = arith.constant 2 : i32
      %add3A_150 = arith.addi %add3A_92, %add3A_149 : i32
      %dma_wait3A_151 = arith.constant 0 : i32
      %dma_wait3A_152 = arith.constant 0 : i32
      %dma_wait3A_153 = tpu.memref_slice %arg3[%dma_wait3A_151, %dma_wait3A_152] : memref<1000000x32xf32, #tpu.memory_space<hbm>> -> memref<1000000x32xf32, #tpu.memory_space<hbm>>
      tpu.wait_indirect_dma semaphore(%arg19 : memref<!tpu.dma_semaphore, #tpu.memory_space<semaphore_mem>>) src(%dma_wait3A_153 : memref<1000000x32xf32, #tpu.memory_space<hbm>>) dst(%arg11 : memref<800x32xf32, #tpu.memory_space<vmem>>)
      %add3A_154 = arith.constant 4 : i32
      %add3A_155 = arith.addi %add3A_150, %add3A_154 : i32
      %lt3A_156 = arith.constant 128 : i32
      %lt3A_157 = arith.cmpi slt, %add3A_155, %lt3A_156 : i32
      %convert_element_type3A_158 = arith.extui %lt3A_157 : i1 to i32
      %cond3A_159 = arith.constant 0 : i32
      %cond3A_160 = arith.cmpi ne, %convert_element_type3A_158, %cond3A_159 : i32
      scf.if %cond3A_160 {
        %add3A_209 = arith.constant 4 : i32
        %add3A_210 = arith.addi %add3A_150, %add3A_209 : i32
        %mul3A_211 = arith.constant 4 : i32
        %mul3A_212 = arith.muli %add3A_210, %mul3A_211 : i32
        %add3A_213 = arith.addi %mul3A_2, %mul3A_212 : i32
        %mul3A_214 = arith.constant 200 : i32
        %mul3A_215 = arith.muli %add3A_213, %mul3A_214 : i32
        %dma_start3A_216 = tpu.memref_slice %arg2[%mul3A_215] : memref<3276800xi32, #tpu.memory_space<hbm>> -> memref<800xi32, #tpu.memory_space<hbm>>
        %dma_start3A_217 = tpu.memref_slice %arg2[%mul3A_215] : memref<3276800xi32, #tpu.memory_space<hbm>> -> memref<800xi32, #tpu.memory_space<hbm>>
        tpu.enqueue_dma source(%dma_start3A_217 : memref<800xi32, #tpu.memory_space<hbm>>) target(%arg7 : memref<800xi32, #tpu.memory_space<vmem>>) target_semaphore(%arg15 : memref<!tpu.dma_semaphore, #tpu.memory_space<semaphore_mem>>)
      } else {
      }
      %add3A_161 = arith.constant 4 : i32
      %add3A_162 = arith.addi %add3A_150, %add3A_161 : i32
      %sub3A_163 = arith.constant 1 : i32
      %sub3A_164 = arith.subi %add3A_162, %sub3A_163 : i32
      %lt3A_165 = arith.constant 128 : i32
      %lt3A_166 = arith.cmpi slt, %sub3A_164, %lt3A_165 : i32
      %convert_element_type3A_167 = arith.extui %lt3A_166 : i1 to i32
      %cond3A_168 = arith.constant 0 : i32
      %cond3A_169 = arith.cmpi ne, %convert_element_type3A_167, %cond3A_168 : i32
      scf.if %cond3A_169 {
        %add3A_209 = arith.constant 4 : i32
        %add3A_210 = arith.addi %add3A_150, %add3A_209 : i32
        %sub3A_211 = arith.constant 1 : i32
        %sub3A_212 = arith.subi %add3A_210, %sub3A_211 : i32
        %mul3A_213 = arith.constant 4 : i32
        %mul3A_214 = arith.muli %sub3A_212, %mul3A_213 : i32
        %add3A_215 = arith.addi %mul3A_2, %mul3A_214 : i32
        %mul3A_216 = arith.constant 200 : i32
        %mul3A_217 = arith.muli %add3A_215, %mul3A_216 : i32
        %dma_wait3A_218 = tpu.memref_slice %arg2[%mul3A_217] : memref<3276800xi32, #tpu.memory_space<hbm>> -> memref<800xi32, #tpu.memory_space<hbm>>
        %dma_wait3A_219 = tpu.memref_slice %arg2[%mul3A_217] : memref<3276800xi32, #tpu.memory_space<hbm>> -> memref<800xi32, #tpu.memory_space<hbm>>
        tpu.wait_dma2 semaphore(%arg14 : memref<!tpu.dma_semaphore, #tpu.memory_space<semaphore_mem>>) src(%dma_wait3A_219 : memref<800xi32, #tpu.memory_space<hbm>>) dst(%arg6 : memref<800xi32, #tpu.memory_space<vmem>>)
        %ge3A = arith.constant 1 : i32
        %ge3A_220 = arith.cmpi sge, %add3A_150, %ge3A : i32
        %convert_element_type3A_221 = arith.extui %ge3A_220 : i1 to i32
        %cond3A_222 = arith.constant 0 : i32
        %cond3A_223 = arith.cmpi ne, %convert_element_type3A_221, %cond3A_222 : i32
        scf.if %cond3A_223 {
          %sub3A_227 = arith.constant 1 : i32
          %sub3A_228 = arith.subi %add3A_150, %sub3A_227 : i32
          %mul3A_229 = arith.constant 4 : i32
          %mul3A_230 = arith.muli %sub3A_228, %mul3A_229 : i32
          %add3A_231 = arith.addi %mul3A_2, %mul3A_230 : i32
          %mul3A_232 = arith.constant 200 : i32
          %mul3A_233 = arith.muli %add3A_231, %mul3A_232 : i32
          %dma_wait3A_234 = arith.constant 0 : i32
          %dma_wait3A_235 = tpu.memref_slice %arg4[%mul3A_233, %dma_wait3A_234] : memref<3276800x128xf32, #tpu.memory_space<hbm>> -> memref<800x32xf32, #tpu.memory_space<hbm>>
          %dma_wait3A_236 = arith.constant 0 : i32
          %dma_wait3A_237 = tpu.memref_slice %arg4[%mul3A_233, %dma_wait3A_236] : memref<3276800x128xf32, #tpu.memory_space<hbm>> -> memref<800x32xf32, #tpu.memory_space<hbm>>
          tpu.wait_dma2 semaphore(%arg22 : memref<!tpu.dma_semaphore, #tpu.memory_space<semaphore_mem>>) src(%arg10 : memref<800x32xf32, #tpu.memory_space<vmem>>) dst(%dma_wait3A_237 : memref<800x32xf32, #tpu.memory_space<hbm>>)
        } else {
        }
        %dma_start3A_224 = arith.constant 0 : i32
        %dma_start3A_225 = arith.constant 0 : i32
        %dma_start3A_226 = tpu.memref_slice %arg3[%dma_start3A_224, %dma_start3A_225] : memref<1000000x32xf32, #tpu.memory_space<hbm>> -> memref<1000000x32xf32, #tpu.memory_space<hbm>>
        tpu.enqueue_indirect_dma source(%dma_start3A_226 : memref<1000000x32xf32, #tpu.memory_space<hbm>>) target(%arg10 : memref<800x32xf32, #tpu.memory_space<vmem>>) offsets(%arg6 : memref<800xi32, #tpu.memory_space<vmem>>) semaphore(%arg18 : memref<!tpu.dma_semaphore, #tpu.memory_space<semaphore_mem>>)
      } else {
      }
      %mul3A_170 = arith.constant 4 : i32
      %mul3A_171 = arith.muli %add3A_150, %mul3A_170 : i32
      %add3A_172 = arith.addi %mul3A_2, %mul3A_171 : i32
      %mul3A_173 = arith.constant 200 : i32
      %mul3A_174 = arith.muli %add3A_172, %mul3A_173 : i32
      %dma_start3A_175 = arith.constant 0 : i32
      %dma_start3A_176 = tpu.memref_slice %arg4[%mul3A_174, %dma_start3A_175] : memref<3276800x128xf32, #tpu.memory_space<hbm>> -> memref<800x32xf32, #tpu.memory_space<hbm>>
      %dma_start3A_177 = arith.constant 0 : i32
      %dma_start3A_178 = tpu.memref_slice %arg4[%mul3A_174, %dma_start3A_177] : memref<3276800x128xf32, #tpu.memory_space<hbm>> -> memref<800x32xf32, #tpu.memory_space<hbm>>
      tpu.enqueue_dma source(%arg11 : memref<800x32xf32, #tpu.memory_space<vmem>>) target(%dma_start3A_178 : memref<800x32xf32, #tpu.memory_space<hbm>>) target_semaphore(%arg23 : memref<!tpu.dma_semaphore, #tpu.memory_space<semaphore_mem>>)
      %add3A_179 = arith.constant 3 : i32
      %add3A_180 = arith.addi %add3A_92, %add3A_179 : i32
      %dma_wait3A_181 = arith.constant 0 : i32
      %dma_wait3A_182 = arith.constant 0 : i32
      %dma_wait3A_183 = tpu.memref_slice %arg3[%dma_wait3A_181, %dma_wait3A_182] : memref<1000000x32xf32, #tpu.memory_space<hbm>> -> memref<1000000x32xf32, #tpu.memory_space<hbm>>
      tpu.wait_indirect_dma semaphore(%arg20 : memref<!tpu.dma_semaphore, #tpu.memory_space<semaphore_mem>>) src(%dma_wait3A_183 : memref<1000000x32xf32, #tpu.memory_space<hbm>>) dst(%arg12 : memref<800x32xf32, #tpu.memory_space<vmem>>)
      %add3A_184 = arith.constant 4 : i32
      %add3A_185 = arith.addi %add3A_180, %add3A_184 : i32
      %lt3A_186 = arith.constant 128 : i32
      %lt3A_187 = arith.cmpi slt, %add3A_185, %lt3A_186 : i32
      %convert_element_type3A_188 = arith.extui %lt3A_187 : i1 to i32
      %cond3A_189 = arith.constant 0 : i32
      %cond3A_190 = arith.cmpi ne, %convert_element_type3A_188, %cond3A_189 : i32
      scf.if %cond3A_190 {
        %add3A_209 = arith.constant 4 : i32
        %add3A_210 = arith.addi %add3A_180, %add3A_209 : i32
        %mul3A_211 = arith.constant 4 : i32
        %mul3A_212 = arith.muli %add3A_210, %mul3A_211 : i32
        %add3A_213 = arith.addi %mul3A_2, %mul3A_212 : i32
        %mul3A_214 = arith.constant 200 : i32
        %mul3A_215 = arith.muli %add3A_213, %mul3A_214 : i32
        %dma_start3A_216 = tpu.memref_slice %arg2[%mul3A_215] : memref<3276800xi32, #tpu.memory_space<hbm>> -> memref<800xi32, #tpu.memory_space<hbm>>
        %dma_start3A_217 = tpu.memref_slice %arg2[%mul3A_215] : memref<3276800xi32, #tpu.memory_space<hbm>> -> memref<800xi32, #tpu.memory_space<hbm>>
        tpu.enqueue_dma source(%dma_start3A_217 : memref<800xi32, #tpu.memory_space<hbm>>) target(%arg8 : memref<800xi32, #tpu.memory_space<vmem>>) target_semaphore(%arg16 : memref<!tpu.dma_semaphore, #tpu.memory_space<semaphore_mem>>)
      } else {
      }
      %add3A_191 = arith.constant 4 : i32
      %add3A_192 = arith.addi %add3A_180, %add3A_191 : i32
      %sub3A_193 = arith.constant 1 : i32
      %sub3A_194 = arith.subi %add3A_192, %sub3A_193 : i32
      %lt3A_195 = arith.constant 128 : i32
      %lt3A_196 = arith.cmpi slt, %sub3A_194, %lt3A_195 : i32
      %convert_element_type3A_197 = arith.extui %lt3A_196 : i1 to i32
      %cond3A_198 = arith.constant 0 : i32
      %cond3A_199 = arith.cmpi ne, %convert_element_type3A_197, %cond3A_198 : i32
      scf.if %cond3A_199 {
        %add3A_209 = arith.constant 4 : i32
        %add3A_210 = arith.addi %add3A_180, %add3A_209 : i32
        %sub3A_211 = arith.constant 1 : i32
        %sub3A_212 = arith.subi %add3A_210, %sub3A_211 : i32
        %mul3A_213 = arith.constant 4 : i32
        %mul3A_214 = arith.muli %sub3A_212, %mul3A_213 : i32
        %add3A_215 = arith.addi %mul3A_2, %mul3A_214 : i32
        %mul3A_216 = arith.constant 200 : i32
        %mul3A_217 = arith.muli %add3A_215, %mul3A_216 : i32
        %dma_wait3A_218 = tpu.memref_slice %arg2[%mul3A_217] : memref<3276800xi32, #tpu.memory_space<hbm>> -> memref<800xi32, #tpu.memory_space<hbm>>
        %dma_wait3A_219 = tpu.memref_slice %arg2[%mul3A_217] : memref<3276800xi32, #tpu.memory_space<hbm>> -> memref<800xi32, #tpu.memory_space<hbm>>
        tpu.wait_dma2 semaphore(%arg15 : memref<!tpu.dma_semaphore, #tpu.memory_space<semaphore_mem>>) src(%dma_wait3A_219 : memref<800xi32, #tpu.memory_space<hbm>>) dst(%arg7 : memref<800xi32, #tpu.memory_space<vmem>>)
        %ge3A = arith.constant 1 : i32
        %ge3A_220 = arith.cmpi sge, %add3A_180, %ge3A : i32
        %convert_element_type3A_221 = arith.extui %ge3A_220 : i1 to i32
        %cond3A_222 = arith.constant 0 : i32
        %cond3A_223 = arith.cmpi ne, %convert_element_type3A_221, %cond3A_222 : i32
        scf.if %cond3A_223 {
          %sub3A_227 = arith.constant 1 : i32
          %sub3A_228 = arith.subi %add3A_180, %sub3A_227 : i32
          %mul3A_229 = arith.constant 4 : i32
          %mul3A_230 = arith.muli %sub3A_228, %mul3A_229 : i32
          %add3A_231 = arith.addi %mul3A_2, %mul3A_230 : i32
          %mul3A_232 = arith.constant 200 : i32
          %mul3A_233 = arith.muli %add3A_231, %mul3A_232 : i32
          %dma_wait3A_234 = arith.constant 0 : i32
          %dma_wait3A_235 = tpu.memref_slice %arg4[%mul3A_233, %dma_wait3A_234] : memref<3276800x128xf32, #tpu.memory_space<hbm>> -> memref<800x32xf32, #tpu.memory_space<hbm>>
          %dma_wait3A_236 = arith.constant 0 : i32
          %dma_wait3A_237 = tpu.memref_slice %arg4[%mul3A_233, %dma_wait3A_236] : memref<3276800x128xf32, #tpu.memory_space<hbm>> -> memref<800x32xf32, #tpu.memory_space<hbm>>
          tpu.wait_dma2 semaphore(%arg23 : memref<!tpu.dma_semaphore, #tpu.memory_space<semaphore_mem>>) src(%arg11 : memref<800x32xf32, #tpu.memory_space<vmem>>) dst(%dma_wait3A_237 : memref<800x32xf32, #tpu.memory_space<hbm>>)
        } else {
        }
        %dma_start3A_224 = arith.constant 0 : i32
        %dma_start3A_225 = arith.constant 0 : i32
        %dma_start3A_226 = tpu.memref_slice %arg3[%dma_start3A_224, %dma_start3A_225] : memref<1000000x32xf32, #tpu.memory_space<hbm>> -> memref<1000000x32xf32, #tpu.memory_space<hbm>>
        tpu.enqueue_indirect_dma source(%dma_start3A_226 : memref<1000000x32xf32, #tpu.memory_space<hbm>>) target(%arg11 : memref<800x32xf32, #tpu.memory_space<vmem>>) offsets(%arg7 : memref<800xi32, #tpu.memory_space<vmem>>) semaphore(%arg19 : memref<!tpu.dma_semaphore, #tpu.memory_space<semaphore_mem>>)
      } else {
      }
      %mul3A_200 = arith.constant 4 : i32
      %mul3A_201 = arith.muli %add3A_180, %mul3A_200 : i32
      %add3A_202 = arith.addi %mul3A_2, %mul3A_201 : i32
      %mul3A_203 = arith.constant 200 : i32
      %mul3A_204 = arith.muli %add3A_202, %mul3A_203 : i32
      %dma_start3A_205 = arith.constant 0 : i32
      %dma_start3A_206 = tpu.memref_slice %arg4[%mul3A_204, %dma_start3A_205] : memref<3276800x128xf32, #tpu.memory_space<hbm>> -> memref<800x32xf32, #tpu.memory_space<hbm>>
      %dma_start3A_207 = arith.constant 0 : i32
      %dma_start3A_208 = tpu.memref_slice %arg4[%mul3A_204, %dma_start3A_207] : memref<3276800x128xf32, #tpu.memory_space<hbm>> -> memref<800x32xf32, #tpu.memory_space<hbm>>
      tpu.enqueue_dma source(%arg12 : memref<800x32xf32, #tpu.memory_space<vmem>>) target(%dma_start3A_208 : memref<800x32xf32, #tpu.memory_space<hbm>>) target_semaphore(%arg24 : memref<!tpu.dma_semaphore, #tpu.memory_space<semaphore_mem>>)
    }
    %scan3A_55 = arith.constant 32 : i32
    %add3A_56 = arith.constant 496 : i32
    %add3A_57 = arith.addi %mul3A_2, %add3A_56 : i32
    %mul3A_58 = arith.constant 200 : i32
    %mul3A_59 = arith.muli %add3A_57, %mul3A_58 : i32
    %dma_wait3A_60 = arith.constant 0 : i32
    %dma_wait3A_61 = tpu.memref_slice %arg4[%mul3A_59, %dma_wait3A_60] : memref<3276800x128xf32, #tpu.memory_space<hbm>> -> memref<800x32xf32, #tpu.memory_space<hbm>>
    %dma_wait3A_62 = arith.constant 0 : i32
    %dma_wait3A_63 = tpu.memref_slice %arg4[%mul3A_59, %dma_wait3A_62] : memref<3276800x128xf32, #tpu.memory_space<hbm>> -> memref<800x32xf32, #tpu.memory_space<hbm>>
    tpu.wait_dma2 semaphore(%arg21 : memref<!tpu.dma_semaphore, #tpu.memory_space<semaphore_mem>>) src(%arg9 : memref<800x32xf32, #tpu.memory_space<vmem>>) dst(%dma_wait3A_63 : memref<800x32xf32, #tpu.memory_space<hbm>>)
    %add3A_64 = arith.constant 500 : i32
    %add3A_65 = arith.addi %mul3A_2, %add3A_64 : i32
    %mul3A_66 = arith.constant 200 : i32
    %mul3A_67 = arith.muli %add3A_65, %mul3A_66 : i32
    %dma_wait3A_68 = arith.constant 0 : i32
    %dma_wait3A_69 = tpu.memref_slice %arg4[%mul3A_67, %dma_wait3A_68] : memref<3276800x128xf32, #tpu.memory_space<hbm>> -> memref<800x32xf32, #tpu.memory_space<hbm>>
    %dma_wait3A_70 = arith.constant 0 : i32
    %dma_wait3A_71 = tpu.memref_slice %arg4[%mul3A_67, %dma_wait3A_70] : memref<3276800x128xf32, #tpu.memory_space<hbm>> -> memref<800x32xf32, #tpu.memory_space<hbm>>
    tpu.wait_dma2 semaphore(%arg22 : memref<!tpu.dma_semaphore, #tpu.memory_space<semaphore_mem>>) src(%arg10 : memref<800x32xf32, #tpu.memory_space<vmem>>) dst(%dma_wait3A_71 : memref<800x32xf32, #tpu.memory_space<hbm>>)
    %add3A_72 = arith.constant 504 : i32
    %add3A_73 = arith.addi %mul3A_2, %add3A_72 : i32
    %mul3A_74 = arith.constant 200 : i32
    %mul3A_75 = arith.muli %add3A_73, %mul3A_74 : i32
    %dma_wait3A_76 = arith.constant 0 : i32
    %dma_wait3A_77 = tpu.memref_slice %arg4[%mul3A_75, %dma_wait3A_76] : memref<3276800x128xf32, #tpu.memory_space<hbm>> -> memref<800x32xf32, #tpu.memory_space<hbm>>
    %dma_wait3A_78 = arith.constant 0 : i32
    %dma_wait3A_79 = tpu.memref_slice %arg4[%mul3A_75, %dma_wait3A_78] : memref<3276800x128xf32, #tpu.memory_space<hbm>> -> memref<800x32xf32, #tpu.memory_space<hbm>>
    tpu.wait_dma2 semaphore(%arg23 : memref<!tpu.dma_semaphore, #tpu.memory_space<semaphore_mem>>) src(%arg11 : memref<800x32xf32, #tpu.memory_space<vmem>>) dst(%dma_wait3A_79 : memref<800x32xf32, #tpu.memory_space<hbm>>)
    %add3A_80 = arith.constant 508 : i32
    %add3A_81 = arith.addi %mul3A_2, %add3A_80 : i32
    %mul3A_82 = arith.constant 200 : i32
    %mul3A_83 = arith.muli %add3A_81, %mul3A_82 : i32
    %dma_wait3A_84 = arith.constant 0 : i32
    %dma_wait3A_85 = tpu.memref_slice %arg4[%mul3A_83, %dma_wait3A_84] : memref<3276800x128xf32, #tpu.memory_space<hbm>> -> memref<800x32xf32, #tpu.memory_space<hbm>>
    %dma_wait3A_86 = arith.constant 0 : i32
    %dma_wait3A_87 = tpu.memref_slice %arg4[%mul3A_83, %dma_wait3A_86] : memref<3276800x128xf32, #tpu.memory_space<hbm>> -> memref<800x32xf32, #tpu.memory_space<hbm>>
    tpu.wait_dma2 semaphore(%arg24 : memref<!tpu.dma_semaphore, #tpu.memory_space<semaphore_mem>>) src(%arg12 : memref<800x32xf32, #tpu.memory_space<vmem>>) dst(%dma_wait3A_87 : memref<800x32xf32, #tpu.memory_space<hbm>>)
    return
  }
}

</mosaic_0001>

<sc_bundles>
// kernel: _emb_lookup.3.cloned.1.call-start
scs
__scs_entry_jumppad:
0x0: {  	(pc) =	sbr.rel $0x88, $3  }
0x1: {  	(tag) =	ssettag $0x0;
	lr =	simm.s32 $0x1  }
0x2: {  	[smem:$0x3F9F] =	sst lr;
	_ =	strace $0xD0000000  }
0x3: {  	_ = 	snop  }
0x4: {  	_ = 	snop  }
0x5: {  	_ = 	snop  }
0x6: {  	_ = 	snop  }
0x7: {  	_ = 	snop  }
__scs_overlays_trampoline_lowered:
0x8: {  	[smem:$0x3FAE] =	sst s0  }
0x9: {  	[smem:$0x3FAF] =	sst s1  }
0xa: {  	[smem:$0x3FB0] =	sst s2  }
0xb: {  	[smem:$0x3FB1] =	sst s3  }
0xc: {  	[smem:$0x3FB2] =	sst s4  }
0xd: {  	[smem:$0x3FB3] =	sst s5  }
0xe: {  	[smem:$0x3FB4] =	sst s6  }
0xf: {  	[smem:$0x3FB5] =	sst s7  }
0x10: {  	[smem:$0x3FB6] =	sst s8  }
0x11: {  	[smem:$0x3FB7] =	sst s9;
	s0 =	simm.s32 @!p0 $0x0  }
0x12: {  	s1 =	sld [smem:$0x3F9D];
	s0 =	simm.s32 @p0 $0x1  }
0x13: {  	[smem:$0x3FB8] =	sst s0;
	s0 =	simm.s32 @!p1 $0x0  }
0x14: {  	s2 =	sld [smem:$0x3F9C];
	s0 =	simm.s32 @p1 $0x1  }
0x15: {  	[smem:$0x3FB9] =	sst s0;
	s0 =	simm.s32 @!p2 $0x0  }
0x16: {  	s3 =	sld [smem:$0x3FDB];
	s0 =	simm.s32 @p2 $0x1  }
0x17: {  	s4 =	simm.s32 $0x1BF5;
	[smem:$0x3FBB] =	sst s0  }
0x18: {  	s0 =	sld [smem:$0x3F9E];
	_ =	swait.ge [sflag:s4], $0x0  }
0x19: {  	s7 =	sld [smem:$0x3F9F]  }
0x1a: {  	s8 =	sadd.s32 $0xFFFFE003, lr  }
0x1b: {  	s9 =	sadd.s32 $0xFFFFFEF7, lr;
	s5 =	simm.s32 $0xFFFFFFFF;
	p2 =	slt.u32 s8, $0xFFFFF086  }
0x1c: {  	p1 =	slt.u32 s9, $0xF7A;
	s5 =	simm.s32 @!p2 $0x0  }
0x1d: {  	s5 =	simm.s32 @p1 $0x1;
	p0 =	seq.s32 s7, s2  }
0x1e: {  	s7 =	smul.u32 @!p0 $0xF7A, s2;
	p2 =	seq.s32 @!p0 s5, $0x0  }
0x1f: {  	s9 =	smul.u32 $0xF7A, s1;
	s8 =	simm.s32 @!p0 $0x1BF5;
	p2 =	por !p2, p0  }
0x20: {  	[sflag:s8] =	ssyncset.s32 @!p0 $0xFFFFF086;
	s6 =	sadd.s32 @!p0 s3, s7;
	s7 =	simm.s32 @!p0 $0x108  }
0x21: {  	s3 =	sadd.s32 s3, s9;
	s6 =	sadd.s32 @!p0 $0x88, s6;
	s7 =	simm.s32 @p2 $0x1082  }
0x22: {  	[simem:s7], [sflag:s8] =	dma.local @!p0 [hbm:s6], $0xF7A  }
0x23: {  	s9 =	sor.u32 $0xD0000000, s2;
	s6 =	simm.s32 $0x108;
	_ =	swait.ge @!p0 [sflag:s8], $0x0  }
0x24: {  	s3 =	sadd.s32 $0x88, s3;
	s6 =	simm.s32 @!p1 $0x1082;
	[sflag:s4] =	ssyncset.s32 $0xFFFFF086  }
0x25: {  	[simem:s6], [sflag:s4] =	dma.local [hbm:s3], $0xF7A  }
0x26: {  	[smem:$0x3F9F] =	sst s1;
	(tag) =	ssettag s2;
	_ =	strace s9  }
0x27: {  	s1 =	sld [smem:$0x3FAF]  }
0x28: {  	s2 =	sld [smem:$0x3FB0]  }
0x29: {  	s4 =	sld [smem:$0x3FB2]  }
0x2a: {  	p0 =	seq.s32 s5, $0x0;
	s5 =	sld [smem:$0x3FB3]  }
0x2b: {  	s6 =	sld [smem:$0x3FB4]  }
0x2c: {  	s7 =	sld [smem:$0x3FB5]  }
0x2d: {  	s3 =	simm.s32 $0x108;
	s8 =	sld [smem:$0x3FB6]  }
0x2e: {  	s3 =	simm.s32 @!p0 $0x1082;
	s9 =	sld [smem:$0x3FB7]  }
0x2f: {  	lr =	sadd.s32 s0, s3;
	s0 =	sld [smem:$0x3FAE]  }
0x30: {  	s3 =	sld [smem:$0x3FB1]  }
0x31: {  	[smem:$0x3FBA] =	sst s10  }
0x32: {  	s10 =	sld [smem:$0x3FB8];
	_ =	sdelay $0x3  }
0x33: {  	p0 =	seq.s32 s10, $0x1;
	s10 =	sld [smem:$0x3FBA];
	_ =	sdelay $0x3  }
0x34: {  	[smem:$0x3FBA] =	sst s10  }
0x35: {  	s10 =	sld [smem:$0x3FB9];
	_ =	sdelay $0x3  }
0x36: {  	p1 =	seq.s32 s10, $0x1;
	s10 =	sld [smem:$0x3FBA];
	_ =	sdelay $0x3  }
0x37: {  	[smem:$0x3FBA] =	sst s10  }
0x38: {  	s10 =	sld [smem:$0x3FBB]  }
0x39: {  	_ = 	snop;
	(pc) =	sbr.ind lr, $3  }
0x3a: {  	_ = 	snop  }
0x3b: {  	_ = 	snop  }
0x3c: {  	p2 =	seq.s32 s10, $0x1;
	s10 =	sld [smem:$0x3FBA]  }
0x3d: {  	_ =	shalt  }
0x3e: {  	_ =	shalt  }
0x3f: {  	_ =	shalt  }
0x40: {  	_ =	shalt  }
0x41: {  	_ =	shalt  }
0x42: {  	_ =	shalt  }
0x43: {  	_ =	shalt  }
0x44: {  	_ =	shalt  }
0x45: {  	_ =	shalt  }
0x46: {  	_ =	shalt  }
0x47: {  	_ =	shalt  }
0x48: {  	_ =	shalt  }
0x49: {  	_ =	shalt  }
0x4a: {  	_ =	shalt  }
0x4b: {  	_ =	shalt  }
0x4c: {  	_ =	shalt  }
0x4d: {  	_ =	shalt  }
0x4e: {  	_ =	shalt  }
0x4f: {  	_ =	shalt  }
0x50: {  	_ =	shalt  }
0x51: {  	_ =	shalt  }
0x52: {  	_ =	shalt  }
0x53: {  	_ =	shalt  }
0x54: {  	_ =	shalt  }
0x55: {  	_ =	shalt  }
0x56: {  	_ =	shalt  }
0x57: {  	_ =	shalt  }
0x58: {  	_ =	shalt  }
0x59: {  	_ =	shalt  }
0x5a: {  	_ =	shalt  }
0x5b: {  	_ =	shalt  }
0x5c: {  	_ =	shalt  }
0x5d: {  	_ =	shalt  }
0x5e: {  	_ =	shalt  }
0x5f: {  	_ =	shalt  }
0x60: {  	_ =	shalt  }
0x61: {  	_ =	shalt  }
0x62: {  	_ =	shalt  }
0x63: {  	_ =	shalt  }
0x64: {  	_ =	shalt  }
0x65: {  	_ =	shalt  }
0x66: {  	_ =	shalt  }
0x67: {  	_ =	shalt  }
0x68: {  	_ =	shalt  }
0x69: {  	_ =	shalt  }
0x6a: {  	_ =	shalt  }
0x6b: {  	_ =	shalt  }
0x6c: {  	_ =	shalt  }
0x6d: {  	_ =	shalt  }
0x6e: {  	_ =	shalt  }
0x6f: {  	_ =	shalt  }
0x70: {  	_ =	shalt  }
0x71: {  	_ =	shalt  }
0x72: {  	_ =	shalt  }
0x73: {  	_ =	shalt  }
0x74: {  	_ =	shalt  }
0x75: {  	_ =	shalt  }
0x76: {  	_ =	shalt  }
0x77: {  	_ =	shalt  }
0x78: {  	_ =	shalt  }
0x79: {  	_ =	shalt  }
0x7a: {  	_ =	shalt  }
0x7b: {  	_ =	shalt  }
0x7c: {  	_ =	shalt  }
0x7d: {  	_ =	shalt  }
0x7e: {  	_ =	shalt  }
0x7f: {  	_ =	shalt  }
0x80: {  	_ =	shalt  }
0x81: {  	_ =	shalt  }
0x82: {  	_ =	shalt  }
0x83: {  	_ =	shalt  }
0x84: {  	_ =	shalt  }
0x85: {  	_ =	shalt  }
0x86: {  	_ =	shalt  }
0x87: {  	_ =	shalt  }
.Lfunc_end0:
.L_simem_size_0:
called_computation_lowered:
.L_overlay_start_0:
0x88: {  	s2 =	sld [smem:$0x3FD9]  }
0x89: {  	s3 =	sld [smem:$0x3FFE];
	_ =	sdelay $0x1  }
0x8a: {  	s1 =	srdreg.scid  }
0x8b: {  	s0 =	sand.u32 $0x1, s1  }
0x8c: {  	s17 =	sshll.u32 s0, $0xA;
	s2 =	sadd.s32 s3, s2  }
0x8d: {  	s2 =	sadd.s32 s2, s17  }
0x8e: {  	[smem:$0x3FC6] =	sst s2  }
0x8f: {  	_ = 	snop  }
0x90: {  	s2 =	sld [smem:$0x3FC9]  }
0x91: {  	s18 =	sld [smem:$0x3FD0];
	(tm) =	ssettm $0x1  }
0x92: {  	s4 =	sld [smem:$0x3FFB];
	_ =	sdelay $0x3  }
0x93: {  	_ =	strace s4  }
0x94: {  	s4 =	sld [smem:$0x3FFC];
	_ =	sdelay $0x3  }
0x95: {  	_ =	strace s4  }
0x96: {  	s4 =	sld [smem:$0x3FFD];
	_ =	sdelay $0x3  }
0x97: {  	_ =	strace s4  }
0x98: {  	_ =	strace $0x8FFFFFFF  }
0x99: {  	s19 =	sld [smem:$0x3FDB];
	_ =	sdelay $0x1  }
0x9a: {  	s5 =	simm.s32 $_scs_section_size  }
0x9b: {  	s6 =	simm.s32 $_size__tile_overlayer_lowered;
	s7 =	simm.s32 $_tile_overlayer_lowered  }
0x9c: {  	s22 =	simm.s32 $0x1BFF;
	s21 =	sshll.u32 s7, $0x1;
	s4 =	sadd.s32 s5, s19  }
0x9d: {  	s8 =	simm.s32 $0x0;
	s20 =	sshll.u32 s6, $0x1;
	s6 =	sadd.s32 s21, s4  }
0x9e: {  	[timem:s8], [sflag:s22] =	dma.local [hbm:s6], s20  }
0x9f: {  	_ =	swait.ge [sflag:s22], s20  }
0xa0: {  	s5 =	ssub.s32 $0x0, s20;
	[sflag:s22] =	ssyncset.done $0x0  }
0xa1: {  	[sflag:s22] =	ssyncadd.s32 s5;
	_ =	sdelay $0x1  }
0xa2: {  	s23 =	simm.s32 $0x1B8B  }
0xa3: {  	_ =	swait.ge [sflag:s23], $0x1  }
0xa4: {  	[sflag:s23] =	ssyncset.done $0x0  }
0xa5: {  	s25 =	simm.s32 $0x1B8E;
	s24 =	sld [smem:$0x3FFE];
	[sflag:s23] =	ssyncadd.s32 $0xFFFFFFFF  }
0xa6: {  	s26 =	simm.s32 $execute0_lowered;
	[smem:$0x3FD2] =	sst s25  }
0xa7: {  	s6 =	sshll.u32 s26, $0x1;
	_ =	strace $0x80000046;
	[dreg:$0x1] =	wrdreg $0xFFFFFFFF  }
0xa8: {  	s28 =	simm.s32 $_size_execute0_lowered;
	s4 =	sadd.s32 s4, s6;
	[dreg:$0x0] =	wrdreg $0x0  }
0xa9: {  	s6 =	sshll.u32 s28, $0x1;
	[dreg:$0x2] =	wrdreg s4  }
0xaa: {  	[dreg:$0x3] =	wrdreg s6  }
0xab: {  	[dreg:$0x4] =	wrdreg $0xC0  }
0xac: {  	_ =	task [dreg:s8], $0x5FFFF  }
0xad: {  	[dreg:$0x1] =	wrdreg $0xFFFFFFFF  }
0xae: {  	[dreg:$0x0] =	wrdreg $0x60  }
0xaf: {  	[dreg:$0x2] =	wrdreg s2  }
0xb0: {  	[dreg:$0x3] =	wrdreg s24  }
0xb1: {  	[dreg:$0x4] =	wrdreg s18  }
0xb2: {  	[dreg:$0x5] =	wrdreg $0x9  }
0xb3: {  	_ =	task.clear_ibuf [dreg:s8], $0x6FFFF;
	_ =	strace $0x90000046  }
0xb4: {  	s29 =	simm.s32 $0x9;
	_ =	strace $0x80000048  }
0xb5: {  	_ =	swait.ge [sflag:s29], $0x1  }
0xb6: {  	[sflag:s29] =	ssyncadd.s32 $0xFFFFFFFF  }
0xb7: {  	_ =	strace $0x90000048  }
0xb8: {  	_ =	sfence  }
0xb9: {  	s30 =	sld [smem:$0x0];
	_ =	sdelay $0x2  }
0xba: {  	s31 =	sshll.u32 s1, $0xD;
	s1 =	sshrl.u32 s1, $0x2  }
0xbb: {  	s3 =	sand.u32 $0x4000, s31;
	s1 =	sadd.s32 s1, s30  }
0xbc: {  	s0 =	sor.u32 s3, s0;
	s1 =	sshll.u32 s1, $0x11  }
0xbd: {  	s0 =	sor.u32 s1, s0  }
0xbe: {  	s0 =	sadd.s32 $0x8F2B, s0  }
0xbf: {  	[sflag:s0] =	ssyncadd.remote.s32 $0x1  }
0xc0: {  	_ =	sfence.sel $0xFFFF  }
0xc1: {  	[dreg:$0x0] =	wrdreg $0xFFFFFFFF;
	(pc) =	sbr.abs _section_cstart, $3  }
0xc2: {  	[dreg:$0x1] =	wrdreg $0xFFFFFFFF  }
0xc3: {  	_ =	task.clear_ibuf [dreg:s8], $0x2FFFF;
	_ =	strace $0x9FFFFFFF  }
0xc4: {  	(tm) =	ssettm $0x7FFFFFFF  }
0xc5: {  	_ =	shalt  }
tec
execute0_lowered:
.L_overlay_start_1:
0x0: {  	(tag) =	ssettag $0x1  }
0x1: {  	s0 =	rddreg [dreg:$0x0]  }
0x2: {  	s1 =	rddreg [dreg:$0x1]  }
0x3: {  	s5 =	rddreg [dreg:$0x2];
	s3 =	srdreg.scid  }
0x4: {  	s9 =	stileid.u32;
	s2 =	simm.s32 $0x0;
	s12 =	simm.s32 $0x960  }
0x5: {  	s14 =	simm.s32 $0xC80;
	s15 =	simm.s32 $0x2;
	s16 =	simm.s32 $0x7080  }
0x6: {  	s17 =	simm.s32 $0x3;
	s18 =	simm.s32 $0xD480;
	s19 =	simm.s32 $0x5  }
0x7: {  	s20 =	simm.s32 $0x4;
	s28 =	simm.s32 $0x9;
	s29 =	simm.s32 $0xA  }
0x8: {  	s30 =	simm.s32 $0xB;
	s31 =	simm.s32 $0xC;
	s8 =	smul.u32 $0x6400, s9  }
0x9: {  	s6 =	sand.u32 $0x1, s3;
	s21 =	sshll.u32 s9, $0x1;
	s9 =	smul.u32 $0x320000, s9  }
0xa: {  	[smem:$0x7FF] =	sst s2;
	s3 =	sor.u32 s6, s21;
	s24 =	smul.u32 $0x3200, s6  }
0xb: {  	_ =	strace $0x80000047;
	s4 =	ssub.s32 $0x2, s6;
	s7 =	smul.u32 $0x3200, s3  }
0xc: {  	s6 =	smul.u32 $0x190000, s6;
	s21 =	simm.s32 $0x13880;
	s22 =	sshrl.u32 s4, $0x1  }
0xd: {  	s3 =	sadd.s32 $0x400, s1;
	s1 =	ssub.s32 s4, s22;
	s23 =	sadd.s32 s0, s7  }
0xe: {  	s26 =	sadd.s32 s9, s5;
	s1 =	smax.u32 s1, $0x1;
	[dreg:$0x5] =	wrdreg s23  }
0xf: {  	s9 =	sadd.s32 s6, s26;
	s10 =	sadd.s32 $0x64, s23;
	[dreg:$0x9] =	wrdreg s1  }
0x10: {  	s22 =	simm.s32 $0x20;
	s25 =	sadd.s32 $0xC8, s23;
	[dreg:$0x6] =	wrdreg s10  }
0x11: {  	s0 =	sadd.s32 s8, s0;
	s4 =	sadd.s32 $0x12C, s23;
	[dreg:$0x7] =	wrdreg s25  }
0x12: {  	s26 =	simm.s32 $0x8;
	s0 =	sadd.s32 s24, s0;
	[dreg:$0x8] =	wrdreg s4  }
0x13: {  	s23 =	simm.s32 $0x80;
	s24 =	simm.s32 $0x6;
	[dreg:$0x4] =	wrdreg s0  }
0x14: {  	s10 =	simm.s32 $0x320;
	s25 =	simm.s32 $0x7;
	s0 =	simm.s32 $0x0  }
.LBB2_1:
0x15: {  	s1 =	rddreg [dreg:$0x5]  }
0x16: {  	[tilespmem:s2], [sflag:$0x1] =	stream.linear.gather [hbm4b:s1+s2], $0x320, $0x38;
	[tilespmem:$0x19C80] =	vst v63  }
0x17: {  	s5 =	rddreg [dreg:$0x6]  }
0x18: {  	[tilespmem:s10], [sflag:$0x2] =	stream.linear.gather [hbm4b:s5+s2], $0x320, $0x38;
	[tilespmem:$0x19C80] =	vst v63  }
0x19: {  	s6 =	rddreg [dreg:$0x7];
	s4 =	simm.s32 $0x640  }
0x1a: {  	[tilespmem:s4], [sflag:$0x3] =	stream.linear.gather [hbm4b:s6+s2], $0x320, $0x38;
	[tilespmem:$0x19C80] =	vst v63  }
0x1b: {  	s7 =	rddreg [dreg:$0x8];
	s8 =	simm.s32 $0x1  }
0x1c: {  	[tilespmem:s12], [sflag:$0x4] =	stream.linear.gather [hbm4b:s7+s2], $0x320, $0x38;
	[tilespmem:$0x19C80] =	vst v63  }
0x1d: {  	_ =	swait.ge [sflag:s8], $0x320  }
0x1e: {  	[sflag:s8] =	ssyncset.done $0x0  }
0x1f: {  	[sflag:s8] =	ssyncadd.s32 $0xFFFFFCE0  }
0x20: {  	[tilespmem:s14], [sflag:$0x5] =	stream.indirect.gather [hbm4b:s3+s10], $0x20, s2, s10, $0xb8;
	[tilespmem:$0x19C80] =	vst v63  }
0x21: {  	_ =	swait.ge [sflag:s15], $0x320  }
0x22: {  	[sflag:s15] =	ssyncset.done $0x0  }
0x23: {  	[sflag:s15] =	ssyncadd.s32 $0xFFFFFCE0  }
0x24: {  	[tilespmem:s16], [sflag:$0x6] =	stream.indirect.gather [hbm4b:s3+s10], $0x20, s10, s10, $0xb8;
	[tilespmem:$0x19C80] =	vst v63  }
0x25: {  	_ =	swait.ge [sflag:s17], $0x320  }
0x26: {  	[sflag:s17] =	ssyncset.done $0x0  }
0x27: {  	[sflag:s17] =	ssyncadd.s32 $0xFFFFFCE0  }
0x28: {  	[tilespmem:s18], [sflag:$0x7] =	stream.indirect.gather [hbm4b:s3+s10], $0x20, s4, s10, $0xb8;
	[tilespmem:$0x19C80] =	vst v63  }
0x29: {  	_ =	swait.ge [sflag:s19], $0x6400  }
0x2a: {  	p0 =	por $0x0, $0x0;
	s1 =	rddreg [dreg:$0x4]  }
0x2b: {  	[sflag:s19] =	ssyncset.done $0x0;
	s1 =	sadd.s32 @!p0 $0x0, s1  }
0x2c: {  	s6 =	simm.s32 @!p0 $0x0;
	[sflag:s19] =	ssyncadd.s32 $0xFFFF9C00;
	s5 =	sadd.s32 @!p0 $0x190, s1  }
0x2d: {  	[tilespmem:s6], [sflag:$0x1] =	stream.linear.gather @!p0 [hbm4b:s5+s6], $0x320, $0x38;
	[tilespmem:$0x19C80] =	vst v63  }
0x2e: {  	_ =	swait.ge [sflag:s20], $0x320  }
0x2f: {  	p1 =	por $0x1, $0x1;
	[sflag:s20] =	ssyncset.done $0x0  }
0x30: {  	s5 =	simm.s32 @!p1 $0xC;
	[sflag:s20] =	ssyncadd.s32 $0xFFFFFCE0  }
0x31: {  	_ =	swait.ge @!p1 [sflag:s5], $0x6400  }
0x32: {  	[sflag:s5] =	ssyncset.done @!p1 $0x0  }
0x33: {  	[sflag:s5] =	ssyncadd.s32 @!p1 $0xFFFF9C00  }
0x34: {  	[tilespmem:s21], [sflag:$0x8] =	stream.indirect.gather [hbm4b:s3+s10], $0x20, s12, s10, $0xb8;
	[tilespmem:$0x19C80] =	vst v63  }
0x35: {  	_ = 	snop  }
0x36: {  	[hbm4b:s9+s22] =	stream.strided.scatter [tilespmem:s14], [sflag:$0x9], $0x6400, s23, s22, $0x38;
	[tilespmem:$0x19C80] =	vst v63  }
0x37: {  	_ =	swait.ge [sflag:s24], $0x6400  }
0x38: {  	s7 =	simm.s32 @!p0 $0x320;
	[sflag:s24] =	ssyncset.done $0x0  }
0x39: {  	s8 =	simm.s32 @!p0 $0x1;
	s5 =	sadd.s32 @!p0 $0x1F4, s1;
	[sflag:s24] =	ssyncadd.s32 $0xFFFF9C00  }
0x3a: {  	[tilespmem:s7], [sflag:$0x2] =	stream.linear.gather @!p0 [hbm4b:s5+s6], $0x320, $0x38;
	[tilespmem:$0x19C80] =	vst v63  }
0x3b: {  	_ =	swait.ge @!p0 [sflag:s8], $0x320  }
0x3c: {  	[sflag:s8] =	ssyncset.done @!p0 $0x0  }
0x3d: {  	s5 =	simm.s32 @!p0 $0x9;
	[sflag:s8] =	ssyncadd.s32 @!p0 $0xFFFFFCE0  }
0x3e: {  	_ =	swait.ge @!p0 [sflag:s5], $0x6400  }
0x3f: {  	[sflag:s5] =	ssyncset.done @!p0 $0x0  }
0x40: {  	[sflag:s5] =	ssyncadd.s32 @!p0 $0xFFFF9C00;
	s5 =	simm.s32 @!p0 $0xC80  }
0x41: {  	[tilespmem:s5], [sflag:$0x5] =	stream.indirect.gather @!p0 [hbm4b:s3+s7], $0x20, s6, s7, $0xb8;
	[tilespmem:$0x19C80] =	vst v63  }
0x42: {  	s11 =	sadd.s32 $0x3200, s9  }
0x43: {  	[hbm4b:s11+s22] =	stream.strided.scatter [tilespmem:s16], [sflag:$0xA], $0x6400, s23, s22, $0x38;
	[tilespmem:$0x19C80] =	vst v63  }
0x44: {  	_ =	swait.ge [sflag:s25], $0x6400  }
0x45: {  	[sflag:s25] =	ssyncset.done $0x0  }
0x46: {  	s8 =	simm.s32 @!p0 $0x640;
	s5 =	sadd.s32 @!p0 $0x258, s1;
	[sflag:s25] =	ssyncadd.s32 $0xFFFF9C00  }
0x47: {  	[tilespmem:s8], [sflag:$0x3] =	stream.linear.gather @!p0 [hbm4b:s5+s6], $0x320, $0x38;
	[tilespmem:$0x19C80] =	vst v63  }
0x48: {  	s5 =	simm.s32 @!p0 $0x2  }
0x49: {  	_ =	swait.ge @!p0 [sflag:s5], $0x320  }
0x4a: {  	[sflag:s5] =	ssyncset.done @!p0 $0x0  }
0x4b: {  	[sflag:s5] =	ssyncadd.s32 @!p0 $0xFFFFFCE0;
	s5 =	simm.s32 @!p0 $0xA  }
0x4c: {  	_ =	swait.ge @!p0 [sflag:s5], $0x6400  }
0x4d: {  	[sflag:s5] =	ssyncset.done @!p0 $0x0  }
0x4e: {  	[sflag:s5] =	ssyncadd.s32 @!p0 $0xFFFF9C00;
	s5 =	simm.s32 @!p0 $0x7080  }
0x4f: {  	[tilespmem:s5], [sflag:$0x6] =	stream.indirect.gather @!p0 [hbm4b:s3+s7], $0x20, s7, s7, $0xb8;
	[tilespmem:$0x19C80] =	vst v63  }
0x50: {  	s13 =	sadd.s32 $0x6400, s9  }
0x51: {  	[hbm4b:s13+s22] =	stream.strided.scatter [tilespmem:s18], [sflag:$0xB], $0x6400, s23, s22, $0x38;
	[tilespmem:$0x19C80] =	vst v63  }
0x52: {  	_ =	swait.ge [sflag:s26], $0x6400  }
0x53: {  	[sflag:s26] =	ssyncset.done $0x0  }
0x54: {  	s1 =	sadd.s32 @!p0 $0x2BC, s1;
	s5 =	simm.s32 @!p0 $0x960;
	[sflag:s26] =	ssyncadd.s32 $0xFFFF9C00  }
0x55: {  	[tilespmem:s5], [sflag:$0x4] =	stream.linear.gather @!p0 [hbm4b:s1+s6], $0x320, $0x38;
	[tilespmem:$0x19C80] =	vst v63  }
0x56: {  	s1 =	simm.s32 @!p0 $0x3  }
0x57: {  	_ =	swait.ge @!p0 [sflag:s1], $0x320  }
0x58: {  	[sflag:s1] =	ssyncset.done @!p0 $0x0  }
0x59: {  	[sflag:s1] =	ssyncadd.s32 @!p0 $0xFFFFFCE0;
	s1 =	simm.s32 @!p0 $0xB  }
0x5a: {  	_ =	swait.ge @!p0 [sflag:s1], $0x6400  }
0x5b: {  	[sflag:s1] =	ssyncset.done @!p0 $0x0  }
0x5c: {  	[sflag:s1] =	ssyncadd.s32 @!p0 $0xFFFF9C00;
	s1 =	simm.s32 @!p0 $0xD480  }
0x5d: {  	[tilespmem:s1], [sflag:$0x7] =	stream.indirect.gather @!p0 [hbm4b:s3+s7], $0x20, s8, s7, $0xb8;
	[tilespmem:$0x19C80] =	vst v63  }
0x5e: {  	s6 =	sadd.s32 $0x9600, s9;
	s5 =	sadd.s32 $0xC800, s9;
	s1 =	simm.s32 $0x190  }
.LBB2_2:
0x5f: {  	[hbm4b:s6+s22] =	stream.strided.scatter [tilespmem:s21], [sflag:$0xC], $0x6400, s23, s22, $0x38;
	[tilespmem:$0x19C80] =	vst v63  }
0x60: {  	s7 =	smov.u32 s1;
	_ =	swait.ge [sflag:s19], $0x6400  }
0x61: {  	p1 =	seq.s32 s7, $0x3070;
	s6 =	rddreg [dreg:$0x4]  }
0x62: {  	[sflag:s19] =	ssyncset.done $0x0;
	s8 =	sadd.s32 @!p1 s7, s6  }
0x63: {  	[sflag:s19] =	ssyncadd.s32 $0xFFFF9C00;
	s6 =	simm.s32 @!p1 $0x0;
	s11 =	sadd.s32 @!p1 $0x190, s8  }
0x64: {  	[tilespmem:s6], [sflag:$0x1] =	stream.linear.gather @!p1 [hbm4b:s11+s6], $0x320, $0x38;
	[tilespmem:$0x19C80] =	vst v63  }
0x65: {  	p2 =	seq.s32 s7, $0x0;
	_ =	swait.ge [sflag:s20], $0x320  }
0x66: {  	s4 =	sadd.s32 @!p1 $0x258, s8;
	s7 =	sadd.s32 @!p1 $0x2BC, s8;
	[sflag:s20] =	ssyncset.done $0x0  }
0x67: {  	s11 =	sadd.s32 @!p1 $0x1F4, s8;
	s8 =	simm.s32 @!p2 $0xC;
	[sflag:s20] =	ssyncadd.s32 $0xFFFFFCE0  }
0x68: {  	_ =	swait.ge @!p2 [sflag:s8], $0x6400  }
0x69: {  	[sflag:s8] =	ssyncset.done @!p2 $0x0  }
0x6a: {  	[sflag:s8] =	ssyncadd.s32 @!p2 $0xFFFF9C00  }
0x6b: {  	[tilespmem:s21], [sflag:$0x8] =	stream.indirect.gather [hbm4b:s3+s10], $0x20, s12, s10, $0xb8;
	[tilespmem:$0x19C80] =	vst v63  }
0x6c: {  	_ = 	snop  }
0x6d: {  	[hbm4b:s5+s22] =	stream.strided.scatter [tilespmem:s14], [sflag:$0x9], $0x6400, s23, s22, $0x38;
	[tilespmem:$0x19C80] =	vst v63  }
0x6e: {  	_ =	swait.ge [sflag:s24], $0x6400  }
0x6f: {  	[sflag:s24] =	ssyncset.done $0x0  }
0x70: {  	s13 =	simm.s32 @!p1 $0x1;
	s8 =	simm.s32 @!p1 $0x320;
	[sflag:s24] =	ssyncadd.s32 $0xFFFF9C00  }
0x71: {  	[tilespmem:s8], [sflag:$0x2] =	stream.linear.gather @!p1 [hbm4b:s11+s6], $0x320, $0x38;
	[tilespmem:$0x19C80] =	vst v63  }
0x72: {  	_ =	swait.ge @!p1 [sflag:s13], $0x320  }
0x73: {  	[sflag:s13] =	ssyncset.done @!p1 $0x0  }
0x74: {  	s11 =	simm.s32 @!p1 $0x9;
	[sflag:s13] =	ssyncadd.s32 @!p1 $0xFFFFFCE0  }
0x75: {  	_ =	swait.ge @!p1 [sflag:s11], $0x6400  }
0x76: {  	[sflag:s11] =	ssyncset.done @!p1 $0x0  }
0x77: {  	[sflag:s11] =	ssyncadd.s32 @!p1 $0xFFFF9C00;
	s11 =	simm.s32 @!p1 $0xC80  }
0x78: {  	[tilespmem:s11], [sflag:$0x5] =	stream.indirect.gather @!p1 [hbm4b:s3+s8], $0x20, s6, s8, $0xb8;
	[tilespmem:$0x19C80] =	vst v63  }
0x79: {  	s13 =	sadd.s32 $0x3200, s5  }
0x7a: {  	[hbm4b:s13+s22] =	stream.strided.scatter [tilespmem:s16], [sflag:$0xA], $0x6400, s23, s22, $0x38;
	[tilespmem:$0x19C80] =	vst v63  }
0x7b: {  	_ =	swait.ge [sflag:s25], $0x6400  }
0x7c: {  	[sflag:s25] =	ssyncset.done $0x0  }
0x7d: {  	s11 =	simm.s32 @!p1 $0x640;
	s13 =	simm.s32 @!p1 $0x2;
	[sflag:s25] =	ssyncadd.s32 $0xFFFF9C00  }
0x7e: {  	[tilespmem:s11], [sflag:$0x3] =	stream.linear.gather @!p1 [hbm4b:s4+s6], $0x320, $0x38;
	[tilespmem:$0x19C80] =	vst v63  }
0x7f: {  	_ =	swait.ge @!p1 [sflag:s13], $0x320  }
0x80: {  	[sflag:s13] =	ssyncset.done @!p1 $0x0  }
0x81: {  	s4 =	simm.s32 @!p1 $0xA;
	[sflag:s13] =	ssyncadd.s32 @!p1 $0xFFFFFCE0  }
0x82: {  	_ =	swait.ge @!p1 [sflag:s4], $0x6400  }
0x83: {  	[sflag:s4] =	ssyncset.done @!p1 $0x0  }
0x84: {  	[sflag:s4] =	ssyncadd.s32 @!p1 $0xFFFF9C00;
	s4 =	simm.s32 @!p1 $0x7080  }
0x85: {  	[tilespmem:s4], [sflag:$0x6] =	stream.indirect.gather @!p1 [hbm4b:s3+s8], $0x20, s8, s8, $0xb8;
	[tilespmem:$0x19C80] =	vst v63  }
0x86: {  	s13 =	sadd.s32 $0x6400, s5  }
0x87: {  	[hbm4b:s13+s22] =	stream.strided.scatter [tilespmem:s18], [sflag:$0xB], $0x6400, s23, s22, $0x38;
	[tilespmem:$0x19C80] =	vst v63  }
0x88: {  	_ =	swait.ge [sflag:s26], $0x6400  }
0x89: {  	[sflag:s26] =	ssyncset.done $0x0  }
0x8a: {  	s4 =	simm.s32 @!p1 $0x960;
	s13 =	simm.s32 @!p1 $0x3;
	[sflag:s26] =	ssyncadd.s32 $0xFFFF9C00  }
0x8b: {  	[tilespmem:s4], [sflag:$0x4] =	stream.linear.gather @!p1 [hbm4b:s7+s6], $0x320, $0x38;
	[tilespmem:$0x19C80] =	vst v63  }
0x8c: {  	s1 =	sadd.s32 $0x190, s1;
	_ =	swait.ge @!p1 [sflag:s13], $0x320  }
0x8d: {  	p0 =	sne.s32 s1, $0x3200;
	[sflag:s13] =	ssyncset.done @!p1 $0x0  }
.Ltmp0:
0x8e: {  	s4 =	simm.s32 @!p1 $0xB;
	[sflag:s13] =	ssyncadd.s32 @!p1 $0xFFFFFCE0;
	(pc) =	sbr.rel @p0 .LBB2_2-.Ltmp0, $4  }
0x8f: {  	_ =	swait.ge @!p1 [sflag:s4], $0x6400  }
0x90: {  	s6 =	sadd.s32 $0x9600, s5;
	[sflag:s4] =	ssyncset.done @!p1 $0x0  }
0x91: {  	s5 =	sadd.s32 $0xC800, s5;
	[sflag:s4] =	ssyncadd.s32 @!p1 $0xFFFF9C00;
	s4 =	simm.s32 @!p1 $0xD480  }
0x92: {  	[tilespmem:s4], [sflag:$0x7] =	stream.indirect.gather @!p1 [hbm4b:s3+s8], $0x20, s11, s8, $0xb8;
	[tilespmem:$0x19C80] =	vst v63  }
0x93: {  	[hbm4b:s6+s22] =	stream.strided.scatter [tilespmem:s21], [sflag:$0xC], $0x6400, s23, s22, $0x38;
	[tilespmem:$0x19C80] =	vst v63  }
0x94: {  	_ =	swait.ge [sflag:s28], $0x6400  }
0x95: {  	[sflag:s28] =	ssyncset.done $0x0  }
0x96: {  	[sflag:s28] =	ssyncadd.s32 $0xFFFF9C00  }
0x97: {  	_ =	swait.ge [sflag:s29], $0x6400  }
0x98: {  	[sflag:s29] =	ssyncset.done $0x0  }
0x99: {  	[sflag:s29] =	ssyncadd.s32 $0xFFFF9C00  }
0x9a: {  	_ =	swait.ge [sflag:s30], $0x6400  }
0x9b: {  	[sflag:s30] =	ssyncset.done $0x0  }
0x9c: {  	[sflag:s30] =	ssyncadd.s32 $0xFFFF9C00  }
0x9d: {  	_ =	swait.ge [sflag:s31], $0x6400  }
0x9e: {  	s0 =	sadd.s32 $0x1, s0;
	s1 =	rddreg [dreg:$0x9]  }
0x9f: {  	p0 =	sne.s32 s0, s1  }
.Ltmp1:
0xa0: {  	_ = 	snop;
	(pc) =	sbr.rel @p0 .LBB2_1-.Ltmp1, $3  }
0xa1: {  	_ =	sdelay $0x1  }
0xa2: {  	[sflag:s31] =	ssyncset.done $0x0  }
0xa3: {  	[sflag:s31] =	ssyncadd.s32 $0xFFFF9C00  }
0xa4: {  	_ =	sfence.sel $0x180000  }
0xa5: {  	[bflag:$0x0] =	sbarrier.arrive $0xFFFF  }
0xa6: {  	_ =	strace $0x90000047  }
0xa7: {  	s0 =	stileid.u32;
	[bflag:$0x2] =	sbarrier.arrive $0xFFFF  }
0xa8: {  	p0 =	sne.s32 s0, $0x0;
	s0 =	rddreg [dreg:$0x3]  }
0xa9: {  	s0 =	sadd.s32 @!p0 $0x100000, s0  }
0xaa: {  	[sflag:s0] =	ssyncadd.tile.s32 @!p0 $0x1;
	_ =	shalt  }
.Lfunc_end2:
_tile_overlayer_lowered:
.L_overlay_start_2:
0xab: {  	(tag) =	ssettag $0x2  }
0xac: {  	s0 =	rddreg [dreg:$0x0];
	s2 =	stileid.u32  }
0xad: {  	s1 =	rddreg [dreg:$0x1];
	p0 =	sne.s32 s2, $0x0  }
0xae: {  	s3 =	rddreg [dreg:$0x2];
	[bflag:$0x3] =	sbarrier.arrive $0xFFFF;
	s2 =	simm.s32 @!p0 $0x1C0D  }
0xaf: {  	[timem:s3], [sflag:s2] =	dma.local @!p0 [hbm:s0], s1  }
0xb0: {  	s0 =	simm.s32 @!p0 $0xD  }
0xb1: {  	_ =	swait.ge @!p0 [sflag:s0], s1  }
0xb2: {  	s1 =	ssub.s32 @!p0 $0x0, s1;
	[sflag:s0] =	ssyncset.done @!p0 $0x0  }
0xb3: {  	[sflag:s0] =	ssyncadd.s32 @!p0 s1  }
0xb4: {  	[bflag:$0x3] =	sbarrier.arrive $0xFFFF  }
0xb5: {  	_ =	shalt  }

</sc_bundles>
